<compile_context>
chip_gen: v7x
topology: tpu7x:2x2x1
jax: 0.10.2.dev20260603
libtpu: 0.0.44.dev20260713+nightly
codegen_flags: <defaults>
</compile_context>

<pallas_src>
import functools

import jax
import jax.numpy as jnp
from jax import lax
from jax.experimental import pallas as pl
from jax.experimental.pallas import tpu as pltpu
from jax.experimental.pallas import tpu_sc as plsc

_RC = 200
_NT = 5000
_NW = 32
_NB = 4
_S = 160


def _sc_copy_item(item_w):
    mesh = plsc.VectorSubcoreMesh(core_axis_name="c", subcore_axis_name="s")

    @functools.partial(
        pl.kernel,
        mesh=mesh,
        out_type=jax.ShapeDtypeStruct(item_w.shape, item_w.dtype),
        scratch_types=(
            [pltpu.VMEM((_RC, 64), jnp.float32)] * _NB
            + [pltpu.SemaphoreType.DMA] * (2 * _NB)
        ),
    )
    def sc_kernel(i_hbm, io_hbm, *scr):
        bufs = scr[:_NB]
        isems = scr[_NB:2 * _NB]
        osems = scr[2 * _NB:3 * _NB]
        wid = lax.axis_index("c") * 16 + lax.axis_index("s")

        def valid(s):
            return (s >= 0) & (s * _NW + wid < _NT)

        def start_in(s, b):
            k = s * _NW + wid

            @pl.when(valid(s))
            def _():
                sl = pl.ds(k * _RC, _RC)
                pltpu.make_async_copy(i_hbm.at[sl], bufs[b], isems[b]).start()

        def finish_start_out(s, b):
            k = s * _NW + wid

            @pl.when(valid(s))
            def _():
                sl = pl.ds(k * _RC, _RC)
                pltpu.make_async_copy(i_hbm.at[sl], bufs[b], isems[b]).wait()
                pltpu.make_async_copy(bufs[b], io_hbm.at[sl], osems[b]).start()

        def wait_out(s, b):
            @pl.when(valid(s))
            def _():
                pltpu.make_async_copy(
                    bufs[b], io_hbm.at[pl.ds(0, _RC)], osems[b]).wait()

        start_in(0, 0)
        start_in(1, 1)

        def body(j, carry):
            for b in range(_NB):
                s = _NB * j + b
                finish_start_out(s, b)
                ns = s + 2
                nb = (b + 2) % _NB
                wait_out(ns - _NB, nb)
                start_in(ns, nb)
            return carry

        lax.fori_loop(0, _S // _NB, body, 0)
        for s in (_S - 2, _S - 1):
            wait_out(s, s % _NB)

    return sc_kernel(item_w)


def _tc_copy_block(src_ref, dst_ref):
    dst_ref[...] = src_ref[...]


def _tc_copy(x, block_rows):
    rows, cols = x.shape
    return pl.pallas_call(
        _tc_copy_block,
        grid=(rows // block_rows,),
        in_specs=[pl.BlockSpec((block_rows, cols), lambda i: (i, 0))],
        out_specs=pl.BlockSpec((block_rows, cols), lambda i: (i, 0)),
        out_shape=jax.ShapeDtypeStruct((rows, cols), x.dtype),
    )(x)


def kernel(user_w, item_w, edge_index):
    del edge_index
    user_out = _tc_copy(user_w, block_rows=5000)
    item_out = _sc_copy_item(item_w)
    return (user_out, item_out)

# --- scband reference (transcript-rebuilt; emitter-appended) ---
"""Pipeline reference for scband-light-gcn-71794673319973 (READ-ONLY COPY).

The authoritative reference and input builder live on the scoring server;
editing this copy changes nothing except your own understanding.
"""

import jax, jax.numpy as jnp
import numpy as np

NUM_USERS = 100000
NUM_ITEMS = 1000000
DIM = 64

def setup_inputs(seed: int = 0) -> dict:
    key = jax.random.key(seed)
    k1, k2, k3 = jax.random.split(key, 3)
    edge_index = jax.random.randint(k1, (2, 1000000), 0, NUM_USERS, dtype=jnp.int64 if jax.config.jax_enable_x64 else jnp.int32).astype(jnp.int32)
    user_w = jax.random.normal(k2, (NUM_USERS, DIM), dtype=jnp.float32) * 0.1
    item_w = jax.random.normal(k3, (NUM_ITEMS, DIM), dtype=jnp.float32) * 0.1
    return {"user_w": user_w, "item_w": item_w, "edge_index": edge_index}

def reference(user_w, item_w, edge_index):
    # LightGCN.forward simply returns the raw embedding tables
    # (propagation layers are elided in the original module's forward).
    return (user_w, item_w)

if __name__ == "__main__":
    import jax
    _d = setup_inputs()
    print(jax.jit(kernel)(*tuple(_d.values())))

</pallas_src>

<mosaic_0001>
#map = affine_map<(d0, d1) -> (0, 0)>
module attributes {stable_mosaic.version = 14 : i64} {
  func.func @sc_kernel(%arg0: i32, %arg1: i32, %arg2: memref<1000000x64xf32, #tpu.memory_space<hbm>>, %arg3: memref<1000000x64xf32, #tpu.memory_space<hbm>>, %arg4: memref<200x64xf32, #tpu.memory_space<vmem>>, %arg5: memref<200x64xf32, #tpu.memory_space<vmem>>, %arg6: memref<200x64xf32, #tpu.memory_space<vmem>>, %arg7: memref<200x64xf32, #tpu.memory_space<vmem>>, %arg8: memref<!tpu.dma_semaphore, #tpu.memory_space<semaphore_mem>>, %arg9: memref<!tpu.dma_semaphore, #tpu.memory_space<semaphore_mem>>, %arg10: memref<!tpu.dma_semaphore, #tpu.memory_space<semaphore_mem>>, %arg11: memref<!tpu.dma_semaphore, #tpu.memory_space<semaphore_mem>>, %arg12: memref<!tpu.dma_semaphore, #tpu.memory_space<semaphore_mem>>, %arg13: memref<!tpu.dma_semaphore, #tpu.memory_space<semaphore_mem>>, %arg14: memref<!tpu.dma_semaphore, #tpu.memory_space<semaphore_mem>>, %arg15: memref<!tpu.dma_semaphore, #tpu.memory_space<semaphore_mem>>) attributes {dimension_semantics = [#tpu.dimension_semantics<core_parallel>, #tpu.dimension_semantics<subcore_parallel>], iteration_bounds = array<i64: 2, 16>, scalar_prefetch = 0 : i64, scratch_operands = 12 : i64, tpu.core_type = #tpu.core_type<sc_vector_subcore>, window_params = [{transform_indices = #map}, {transform_indices = #map}]} {
    %mul3A = arith.constant 16 : i32
    %mul3A_0 = arith.muli %arg0, %mul3A : i32
    %add3A = arith.addi %mul3A_0, %arg1 : i32
    %add3A_1 = arith.constant 0 : i32
    %add3A_2 = arith.addi %add3A_1, %add3A : i32
    %add3A_3 = arith.constant 0 : i32
    %add3A_4 = arith.addi %add3A_3, %add3A : i32
    %lt3A = arith.constant 5000 : i32
    %lt3A_5 = arith.cmpi slt, %add3A_4, %lt3A : i32
    %and3A = arith.constant true
    %and3A_6 = arith.andi %and3A, %lt3A_5 : i1
    %convert_element_type3A = arith.extui %and3A_6 : i1 to i32
    %cond3A = arith.constant 0 : i32
    %cond3A_7 = arith.cmpi ne, %convert_element_type3A, %cond3A : i32
    scf.if %cond3A_7 {
      %mul3A_42 = arith.constant 200 : i32
      %mul3A_43 = arith.muli %add3A_2, %mul3A_42 : i32
      %dma_start3A = arith.constant 0 : i32
      %dma_start3A_44 = tpu.memref_slice %arg2[%mul3A_43, %dma_start3A] : memref<1000000x64xf32, #tpu.memory_space<hbm>> -> memref<200x64xf32, #tpu.memory_space<hbm>>
      %dma_start3A_45 = arith.constant 0 : i32
      %dma_start3A_46 = tpu.memref_slice %arg2[%mul3A_43, %dma_start3A_45] : memref<1000000x64xf32, #tpu.memory_space<hbm>> -> memref<200x64xf32, #tpu.memory_space<hbm>>
      tpu.enqueue_dma source(%dma_start3A_46 : memref<200x64xf32, #tpu.memory_space<hbm>>) target(%arg4 : memref<200x64xf32, #tpu.memory_space<vmem>>) target_semaphore(%arg8 : memref<!tpu.dma_semaphore, #tpu.memory_space<semaphore_mem>>)
    } else {
    }
    %add3A_8 = arith.constant 32 : i32
    %add3A_9 = arith.addi %add3A_8, %add3A : i32
    %add3A_10 = arith.constant 32 : i32
    %add3A_11 = arith.addi %add3A_10, %add3A : i32
    %lt3A_12 = arith.constant 5000 : i32
    %lt3A_13 = arith.cmpi slt, %add3A_11, %lt3A_12 : i32
    %and3A_14 = arith.constant true
    %and3A_15 = arith.andi %and3A_14, %lt3A_13 : i1
    %convert_element_type3A_16 = arith.extui %and3A_15 : i1 to i32
    %cond3A_17 = arith.constant 0 : i32
    %cond3A_18 = arith.cmpi ne, %convert_element_type3A_16, %cond3A_17 : i32
    scf.if %cond3A_18 {
      %mul3A_42 = arith.constant 200 : i32
      %mul3A_43 = arith.muli %add3A_9, %mul3A_42 : i32
      %dma_start3A = arith.constant 0 : i32
      %dma_start3A_44 = tpu.memref_slice %arg2[%mul3A_43, %dma_start3A] : memref<1000000x64xf32, #tpu.memory_space<hbm>> -> memref<200x64xf32, #tpu.memory_space<hbm>>
      %dma_start3A_45 = arith.constant 0 : i32
      %dma_start3A_46 = tpu.memref_slice %arg2[%mul3A_43, %dma_start3A_45] : memref<1000000x64xf32, #tpu.memory_space<hbm>> -> memref<200x64xf32, #tpu.memory_space<hbm>>
      tpu.enqueue_dma source(%dma_start3A_46 : memref<200x64xf32, #tpu.memory_space<hbm>>) target(%arg5 : memref<200x64xf32, #tpu.memory_space<vmem>>) target_semaphore(%arg9 : memref<!tpu.dma_semaphore, #tpu.memory_space<semaphore_mem>>)
    } else {
    }
    %scan3A = arith.constant 0 : i32
    %scan3A_19 = arith.constant 0 : i32
    %scan3A_20 = arith.constant 40 : i32
    %scan3A_21 = arith.addi %scan3A_19, %scan3A_20 : i32
    %scan3A_22 = arith.constant 1 : i32
    scf.for %scan3A_42 = %scan3A_19 to %scan3A_21 step %scan3A_22  : i32 {
      %mul3A_43 = arith.constant 4 : i32
      %mul3A_44 = arith.muli %mul3A_43, %scan3A_42 : i32
      %add3A_45 = arith.constant 0 : i32
      %add3A_46 = arith.addi %mul3A_44, %add3A_45 : i32
      %mul3A_47 = arith.constant 32 : i32
      %mul3A_48 = arith.muli %add3A_46, %mul3A_47 : i32
      %add3A_49 = arith.addi %mul3A_48, %add3A : i32
      %ge3A = arith.constant 0 : i32
      %ge3A_50 = arith.cmpi sge, %add3A_46, %ge3A : i32
      %mul3A_51 = arith.constant 32 : i32
      %mul3A_52 = arith.muli %add3A_46, %mul3A_51 : i32
      %add3A_53 = arith.addi %mul3A_52, %add3A : i32
      %lt3A_54 = arith.constant 5000 : i32
      %lt3A_55 = arith.cmpi slt, %add3A_53, %lt3A_54 : i32
      %and3A_56 = arith.andi %ge3A_50, %lt3A_55 : i1
      %convert_element_type3A_57 = arith.extui %and3A_56 : i1 to i32
      %cond3A_58 = arith.constant 0 : i32
      %cond3A_59 = arith.cmpi ne, %convert_element_type3A_57, %cond3A_58 : i32
      scf.if %cond3A_59 {
        %mul3A_229 = arith.constant 200 : i32
        %mul3A_230 = arith.muli %add3A_49, %mul3A_229 : i32
        %dma_wait3A = arith.constant 0 : i32
        %dma_wait3A_231 = tpu.memref_slice %arg2[%mul3A_230, %dma_wait3A] : memref<1000000x64xf32, #tpu.memory_space<hbm>> -> memref<200x64xf32, #tpu.memory_space<hbm>>
        %dma_wait3A_232 = arith.constant 0 : i32
        %dma_wait3A_233 = tpu.memref_slice %arg2[%mul3A_230, %dma_wait3A_232] : memref<1000000x64xf32, #tpu.memory_space<hbm>> -> memref<200x64xf32, #tpu.memory_space<hbm>>
        tpu.wait_dma2 semaphore(%arg8 : memref<!tpu.dma_semaphore, #tpu.memory_space<semaphore_mem>>) src(%dma_wait3A_233 : memref<200x64xf32, #tpu.memory_space<hbm>>) dst(%arg4 : memref<200x64xf32, #tpu.memory_space<vmem>>)
        %dma_start3A = arith.constant 0 : i32
        %dma_start3A_234 = tpu.memref_slice %arg3[%mul3A_230, %dma_start3A] : memref<1000000x64xf32, #tpu.memory_space<hbm>> -> memref<200x64xf32, #tpu.memory_space<hbm>>
        %dma_start3A_235 = arith.constant 0 : i32
        %dma_start3A_236 = tpu.memref_slice %arg3[%mul3A_230, %dma_start3A_235] : memref<1000000x64xf32, #tpu.memory_space<hbm>> -> memref<200x64xf32, #tpu.memory_space<hbm>>
        tpu.enqueue_dma source(%arg4 : memref<200x64xf32, #tpu.memory_space<vmem>>) target(%dma_start3A_236 : memref<200x64xf32, #tpu.memory_space<hbm>>) target_semaphore(%arg12 : memref<!tpu.dma_semaphore, #tpu.memory_space<semaphore_mem>>)
      } else {
      }
      %add3A_60 = arith.constant 2 : i32
      %add3A_61 = arith.addi %add3A_46, %add3A_60 : i32
      %sub3A = arith.constant 4 : i32
      %sub3A_62 = arith.subi %add3A_61, %sub3A : i32
      %ge3A_63 = arith.constant 0 : i32
      %ge3A_64 = arith.cmpi sge, %sub3A_62, %ge3A_63 : i32
      %mul3A_65 = arith.constant 32 : i32
      %mul3A_66 = arith.muli %sub3A_62, %mul3A_65 : i32
      %add3A_67 = arith.addi %mul3A_66, %add3A : i32
      %lt3A_68 = arith.constant 5000 : i32
      %lt3A_69 = arith.cmpi slt, %add3A_67, %lt3A_68 : i32
      %and3A_70 = arith.andi %ge3A_64, %lt3A_69 : i1
      %convert_element_type3A_71 = arith.extui %and3A_70 : i1 to i32
      %cond3A_72 = arith.constant 0 : i32
      %cond3A_73 = arith.cmpi ne, %convert_element_type3A_71, %cond3A_72 : i32
      scf.if %cond3A_73 {
        %dma_wait3A = arith.constant 0 : i32
        %dma_wait3A_229 = arith.constant 0 : i32
        %dma_wait3A_230 = tpu.memref_slice %arg3[%dma_wait3A, %dma_wait3A_229] : memref<1000000x64xf32, #tpu.memory_space<hbm>> -> memref<200x64xf32, #tpu.memory_space<hbm>>
        %dma_wait3A_231 = arith.constant 0 : i32
        %dma_wait3A_232 = arith.constant 0 : i32
        %dma_wait3A_233 = tpu.memref_slice %arg3[%dma_wait3A_231, %dma_wait3A_232] : memref<1000000x64xf32, #tpu.memory_space<hbm>> -> memref<200x64xf32, #tpu.memory_space<hbm>>
        tpu.wait_dma2 semaphore(%arg14 : memref<!tpu.dma_semaphore, #tpu.memory_space<semaphore_mem>>) src(%arg6 : memref<200x64xf32, #tpu.memory_space<vmem>>) dst(%dma_wait3A_233 : memref<200x64xf32, #tpu.memory_space<hbm>>)
      } else {
      }
      %mul3A_74 = arith.constant 32 : i32
      %mul3A_75 = arith.muli %add3A_61, %mul3A_74 : i32
      %add3A_76 = arith.addi %mul3A_75, %add3A : i32
      %ge3A_77 = arith.constant 0 : i32
      %ge3A_78 = arith.cmpi sge, %add3A_61, %ge3A_77 : i32
      %mul3A_79 = arith.constant 32 : i32
      %mul3A_80 = arith.muli %add3A_61, %mul3A_79 : i32
      %add3A_81 = arith.addi %mul3A_80, %add3A : i32
      %lt3A_82 = arith.constant 5000 : i32
      %lt3A_83 = arith.cmpi slt, %add3A_81, %lt3A_82 : i32
      %and3A_84 = arith.andi %ge3A_78, %lt3A_83 : i1
      %convert_element_type3A_85 = arith.extui %and3A_84 : i1 to i32
      %cond3A_86 = arith.constant 0 : i32
      %cond3A_87 = arith.cmpi ne, %convert_element_type3A_85, %cond3A_86 : i32
      scf.if %cond3A_87 {
        %mul3A_229 = arith.constant 200 : i32
        %mul3A_230 = arith.muli %add3A_76, %mul3A_229 : i32
        %dma_start3A = arith.constant 0 : i32
        %dma_start3A_231 = tpu.memref_slice %arg2[%mul3A_230, %dma_start3A] : memref<1000000x64xf32, #tpu.memory_space<hbm>> -> memref<200x64xf32, #tpu.memory_space<hbm>>
        %dma_start3A_232 = arith.constant 0 : i32
        %dma_start3A_233 = tpu.memref_slice %arg2[%mul3A_230, %dma_start3A_232] : memref<1000000x64xf32, #tpu.memory_space<hbm>> -> memref<200x64xf32, #tpu.memory_space<hbm>>
        tpu.enqueue_dma source(%dma_start3A_233 : memref<200x64xf32, #tpu.memory_space<hbm>>) target(%arg6 : memref<200x64xf32, #tpu.memory_space<vmem>>) target_semaphore(%arg10 : memref<!tpu.dma_semaphore, #tpu.memory_space<semaphore_mem>>)
      } else {
      }
      %mul3A_88 = arith.constant 4 : i32
      %mul3A_89 = arith.muli %mul3A_88, %scan3A_42 : i32
      %add3A_90 = arith.constant 1 : i32
      %add3A_91 = arith.addi %mul3A_89, %add3A_90 : i32
      %mul3A_92 = arith.constant 32 : i32
      %mul3A_93 = arith.muli %add3A_91, %mul3A_92 : i32
      %add3A_94 = arith.addi %mul3A_93, %add3A : i32
      %ge3A_95 = arith.constant 0 : i32
      %ge3A_96 = arith.cmpi sge, %add3A_91, %ge3A_95 : i32
      %mul3A_97 = arith.constant 32 : i32
      %mul3A_98 = arith.muli %add3A_91, %mul3A_97 : i32
      %add3A_99 = arith.addi %mul3A_98, %add3A : i32
      %lt3A_100 = arith.constant 5000 : i32
      %lt3A_101 = arith.cmpi slt, %add3A_99, %lt3A_100 : i32
      %and3A_102 = arith.andi %ge3A_96, %lt3A_101 : i1
      %convert_element_type3A_103 = arith.extui %and3A_102 : i1 to i32
      %cond3A_104 = arith.constant 0 : i32
      %cond3A_105 = arith.cmpi ne, %convert_element_type3A_103, %cond3A_104 : i32
      scf.if %cond3A_105 {
        %mul3A_229 = arith.constant 200 : i32
        %mul3A_230 = arith.muli %add3A_94, %mul3A_229 : i32
        %dma_wait3A = arith.constant 0 : i32
        %dma_wait3A_231 = tpu.memref_slice %arg2[%mul3A_230, %dma_wait3A] : memref<1000000x64xf32, #tpu.memory_space<hbm>> -> memref<200x64xf32, #tpu.memory_space<hbm>>
        %dma_wait3A_232 = arith.constant 0 : i32
        %dma_wait3A_233 = tpu.memref_slice %arg2[%mul3A_230, %dma_wait3A_232] : memref<1000000x64xf32, #tpu.memory_space<hbm>> -> memref<200x64xf32, #tpu.memory_space<hbm>>
        tpu.wait_dma2 semaphore(%arg9 : memref<!tpu.dma_semaphore, #tpu.memory_space<semaphore_mem>>) src(%dma_wait3A_233 : memref<200x64xf32, #tpu.memory_space<hbm>>) dst(%arg5 : memref<200x64xf32, #tpu.memory_space<vmem>>)
        %dma_start3A = arith.constant 0 : i32
        %dma_start3A_234 = tpu.memref_slice %arg3[%mul3A_230, %dma_start3A] : memref<1000000x64xf32, #tpu.memory_space<hbm>> -> memref<200x64xf32, #tpu.memory_space<hbm>>
        %dma_start3A_235 = arith.constant 0 : i32
        %dma_start3A_236 = tpu.memref_slice %arg3[%mul3A_230, %dma_start3A_235] : memref<1000000x64xf32, #tpu.memory_space<hbm>> -> memref<200x64xf32, #tpu.memory_space<hbm>>
        tpu.enqueue_dma source(%arg5 : memref<200x64xf32, #tpu.memory_space<vmem>>) target(%dma_start3A_236 : memref<200x64xf32, #tpu.memory_space<hbm>>) target_semaphore(%arg13 : memref<!tpu.dma_semaphore, #tpu.memory_space<semaphore_mem>>)
      } else {
      }
      %add3A_106 = arith.constant 2 : i32
      %add3A_107 = arith.addi %add3A_91, %add3A_106 : i32
      %sub3A_108 = arith.constant 4 : i32
      %sub3A_109 = arith.subi %add3A_107, %sub3A_108 : i32
      %ge3A_110 = arith.constant 0 : i32
      %ge3A_111 = arith.cmpi sge, %sub3A_109, %ge3A_110 : i32
      %mul3A_112 = arith.constant 32 : i32
      %mul3A_113 = arith.muli %sub3A_109, %mul3A_112 : i32
      %add3A_114 = arith.addi %mul3A_113, %add3A : i32
      %lt3A_115 = arith.constant 5000 : i32
      %lt3A_116 = arith.cmpi slt, %add3A_114, %lt3A_115 : i32
      %and3A_117 = arith.andi %ge3A_111, %lt3A_116 : i1
      %convert_element_type3A_118 = arith.extui %and3A_117 : i1 to i32
      %cond3A_119 = arith.constant 0 : i32
      %cond3A_120 = arith.cmpi ne, %convert_element_type3A_118, %cond3A_119 : i32
      scf.if %cond3A_120 {
        %dma_wait3A = arith.constant 0 : i32
        %dma_wait3A_229 = arith.constant 0 : i32
        %dma_wait3A_230 = tpu.memref_slice %arg3[%dma_wait3A, %dma_wait3A_229] : memref<1000000x64xf32, #tpu.memory_space<hbm>> -> memref<200x64xf32, #tpu.memory_space<hbm>>
        %dma_wait3A_231 = arith.constant 0 : i32
        %dma_wait3A_232 = arith.constant 0 : i32
        %dma_wait3A_233 = tpu.memref_slice %arg3[%dma_wait3A_231, %dma_wait3A_232] : memref<1000000x64xf32, #tpu.memory_space<hbm>> -> memref<200x64xf32, #tpu.memory_space<hbm>>
        tpu.wait_dma2 semaphore(%arg15 : memref<!tpu.dma_semaphore, #tpu.memory_space<semaphore_mem>>) src(%arg7 : memref<200x64xf32, #tpu.memory_space<vmem>>) dst(%dma_wait3A_233 : memref<200x64xf32, #tpu.memory_space<hbm>>)
      } else {
      }
      %mul3A_121 = arith.constant 32 : i32
      %mul3A_122 = arith.muli %add3A_107, %mul3A_121 : i32
      %add3A_123 = arith.addi %mul3A_122, %add3A : i32
      %ge3A_124 = arith.constant 0 : i32
      %ge3A_125 = arith.cmpi sge, %add3A_107, %ge3A_124 : i32
      %mul3A_126 = arith.constant 32 : i32
      %mul3A_127 = arith.muli %add3A_107, %mul3A_126 : i32
      %add3A_128 = arith.addi %mul3A_127, %add3A : i32
      %lt3A_129 = arith.constant 5000 : i32
      %lt3A_130 = arith.cmpi slt, %add3A_128, %lt3A_129 : i32
      %and3A_131 = arith.andi %ge3A_125, %lt3A_130 : i1
      %convert_element_type3A_132 = arith.extui %and3A_131 : i1 to i32
      %cond3A_133 = arith.constant 0 : i32
      %cond3A_134 = arith.cmpi ne, %convert_element_type3A_132, %cond3A_133 : i32
      scf.if %cond3A_134 {
        %mul3A_229 = arith.constant 200 : i32
        %mul3A_230 = arith.muli %add3A_123, %mul3A_229 : i32
        %dma_start3A = arith.constant 0 : i32
        %dma_start3A_231 = tpu.memref_slice %arg2[%mul3A_230, %dma_start3A] : memref<1000000x64xf32, #tpu.memory_space<hbm>> -> memref<200x64xf32, #tpu.memory_space<hbm>>
        %dma_start3A_232 = arith.constant 0 : i32
        %dma_start3A_233 = tpu.memref_slice %arg2[%mul3A_230, %dma_start3A_232] : memref<1000000x64xf32, #tpu.memory_space<hbm>> -> memref<200x64xf32, #tpu.memory_space<hbm>>
        tpu.enqueue_dma source(%dma_start3A_233 : memref<200x64xf32, #tpu.memory_space<hbm>>) target(%arg7 : memref<200x64xf32, #tpu.memory_space<vmem>>) target_semaphore(%arg11 : memref<!tpu.dma_semaphore, #tpu.memory_space<semaphore_mem>>)
      } else {
      }
      %mul3A_135 = arith.constant 4 : i32
      %mul3A_136 = arith.muli %mul3A_135, %scan3A_42 : i32
      %add3A_137 = arith.constant 2 : i32
      %add3A_138 = arith.addi %mul3A_136, %add3A_137 : i32
      %mul3A_139 = arith.constant 32 : i32
      %mul3A_140 = arith.muli %add3A_138, %mul3A_139 : i32
      %add3A_141 = arith.addi %mul3A_140, %add3A : i32
      %ge3A_142 = arith.constant 0 : i32
      %ge3A_143 = arith.cmpi sge, %add3A_138, %ge3A_142 : i32
      %mul3A_144 = arith.constant 32 : i32
      %mul3A_145 = arith.muli %add3A_138, %mul3A_144 : i32
      %add3A_146 = arith.addi %mul3A_145, %add3A : i32
      %lt3A_147 = arith.constant 5000 : i32
      %lt3A_148 = arith.cmpi slt, %add3A_146, %lt3A_147 : i32
      %and3A_149 = arith.andi %ge3A_143, %lt3A_148 : i1
      %convert_element_type3A_150 = arith.extui %and3A_149 : i1 to i32
      %cond3A_151 = arith.constant 0 : i32
      %cond3A_152 = arith.cmpi ne, %convert_element_type3A_150, %cond3A_151 : i32
      scf.if %cond3A_152 {
        %mul3A_229 = arith.constant 200 : i32
        %mul3A_230 = arith.muli %add3A_141, %mul3A_229 : i32
        %dma_wait3A = arith.constant 0 : i32
        %dma_wait3A_231 = tpu.memref_slice %arg2[%mul3A_230, %dma_wait3A] : memref<1000000x64xf32, #tpu.memory_space<hbm>> -> memref<200x64xf32, #tpu.memory_space<hbm>>
        %dma_wait3A_232 = arith.constant 0 : i32
        %dma_wait3A_233 = tpu.memref_slice %arg2[%mul3A_230, %dma_wait3A_232] : memref<1000000x64xf32, #tpu.memory_space<hbm>> -> memref<200x64xf32, #tpu.memory_space<hbm>>
        tpu.wait_dma2 semaphore(%arg10 : memref<!tpu.dma_semaphore, #tpu.memory_space<semaphore_mem>>) src(%dma_wait3A_233 : memref<200x64xf32, #tpu.memory_space<hbm>>) dst(%arg6 : memref<200x64xf32, #tpu.memory_space<vmem>>)
        %dma_start3A = arith.constant 0 : i32
        %dma_start3A_234 = tpu.memref_slice %arg3[%mul3A_230, %dma_start3A] : memref<1000000x64xf32, #tpu.memory_space<hbm>> -> memref<200x64xf32, #tpu.memory_space<hbm>>
        %dma_start3A_235 = arith.constant 0 : i32
        %dma_start3A_236 = tpu.memref_slice %arg3[%mul3A_230, %dma_start3A_235] : memref<1000000x64xf32, #tpu.memory_space<hbm>> -> memref<200x64xf32, #tpu.memory_space<hbm>>
        tpu.enqueue_dma source(%arg6 : memref<200x64xf32, #tpu.memory_space<vmem>>) target(%dma_start3A_236 : memref<200x64xf32, #tpu.memory_space<hbm>>) target_semaphore(%arg14 : memref<!tpu.dma_semaphore, #tpu.memory_space<semaphore_mem>>)
      } else {
      }
      %add3A_153 = arith.constant 2 : i32
      %add3A_154 = arith.addi %add3A_138, %add3A_153 : i32
      %sub3A_155 = arith.constant 4 : i32
      %sub3A_156 = arith.subi %add3A_154, %sub3A_155 : i32
      %ge3A_157 = arith.constant 0 : i32
      %ge3A_158 = arith.cmpi sge, %sub3A_156, %ge3A_157 : i32
      %mul3A_159 = arith.constant 32 : i32
      %mul3A_160 = arith.muli %sub3A_156, %mul3A_159 : i32
      %add3A_161 = arith.addi %mul3A_160, %add3A : i32
      %lt3A_162 = arith.constant 5000 : i32
      %lt3A_163 = arith.cmpi slt, %add3A_161, %lt3A_162 : i32
      %and3A_164 = arith.andi %ge3A_158, %lt3A_163 : i1
      %convert_element_type3A_165 = arith.extui %and3A_164 : i1 to i32
      %cond3A_166 = arith.constant 0 : i32
      %cond3A_167 = arith.cmpi ne, %convert_element_type3A_165, %cond3A_166 : i32
      scf.if %cond3A_167 {
        %dma_wait3A = arith.constant 0 : i32
        %dma_wait3A_229 = arith.constant 0 : i32
        %dma_wait3A_230 = tpu.memref_slice %arg3[%dma_wait3A, %dma_wait3A_229] : memref<1000000x64xf32, #tpu.memory_space<hbm>> -> memref<200x64xf32, #tpu.memory_space<hbm>>
        %dma_wait3A_231 = arith.constant 0 : i32
        %dma_wait3A_232 = arith.constant 0 : i32
        %dma_wait3A_233 = tpu.memref_slice %arg3[%dma_wait3A_231, %dma_wait3A_232] : memref<1000000x64xf32, #tpu.memory_space<hbm>> -> memref<200x64xf32, #tpu.memory_space<hbm>>
        tpu.wait_dma2 semaphore(%arg12 : memref<!tpu.dma_semaphore, #tpu.memory_space<semaphore_mem>>) src(%arg4 : memref<200x64xf32, #tpu.memory_space<vmem>>) dst(%dma_wait3A_233 : memref<200x64xf32, #tpu.memory_space<hbm>>)
      } else {
      }
      %mul3A_168 = arith.constant 32 : i32
      %mul3A_169 = arith.muli %add3A_154, %mul3A_168 : i32
      %add3A_170 = arith.addi %mul3A_169, %add3A : i32
      %ge3A_171 = arith.constant 0 : i32
      %ge3A_172 = arith.cmpi sge, %add3A_154, %ge3A_171 : i32
      %mul3A_173 = arith.constant 32 : i32
      %mul3A_174 = arith.muli %add3A_154, %mul3A_173 : i32
      %add3A_175 = arith.addi %mul3A_174, %add3A : i32
      %lt3A_176 = arith.constant 5000 : i32
      %lt3A_177 = arith.cmpi slt, %add3A_175, %lt3A_176 : i32
      %and3A_178 = arith.andi %ge3A_172, %lt3A_177 : i1
      %convert_element_type3A_179 = arith.extui %and3A_178 : i1 to i32
      %cond3A_180 = arith.constant 0 : i32
      %cond3A_181 = arith.cmpi ne, %convert_element_type3A_179, %cond3A_180 : i32
      scf.if %cond3A_181 {
        %mul3A_229 = arith.constant 200 : i32
        %mul3A_230 = arith.muli %add3A_170, %mul3A_229 : i32
        %dma_start3A = arith.constant 0 : i32
        %dma_start3A_231 = tpu.memref_slice %arg2[%mul3A_230, %dma_start3A] : memref<1000000x64xf32, #tpu.memory_space<hbm>> -> memref<200x64xf32, #tpu.memory_space<hbm>>
        %dma_start3A_232 = arith.constant 0 : i32
        %dma_start3A_233 = tpu.memref_slice %arg2[%mul3A_230, %dma_start3A_232] : memref<1000000x64xf32, #tpu.memory_space<hbm>> -> memref<200x64xf32, #tpu.memory_space<hbm>>
        tpu.enqueue_dma source(%dma_start3A_233 : memref<200x64xf32, #tpu.memory_space<hbm>>) target(%arg4 : memref<200x64xf32, #tpu.memory_space<vmem>>) target_semaphore(%arg8 : memref<!tpu.dma_semaphore, #tpu.memory_space<semaphore_mem>>)
      } else {
      }
      %mul3A_182 = arith.constant 4 : i32
      %mul3A_183 = arith.muli %mul3A_182, %scan3A_42 : i32
      %add3A_184 = arith.constant 3 : i32
      %add3A_185 = arith.addi %mul3A_183, %add3A_184 : i32
      %mul3A_186 = arith.constant 32 : i32
      %mul3A_187 = arith.muli %add3A_185, %mul3A_186 : i32
      %add3A_188 = arith.addi %mul3A_187, %add3A : i32
      %ge3A_189 = arith.constant 0 : i32
      %ge3A_190 = arith.cmpi sge, %add3A_185, %ge3A_189 : i32
      %mul3A_191 = arith.constant 32 : i32
      %mul3A_192 = arith.muli %add3A_185, %mul3A_191 : i32
      %add3A_193 = arith.addi %mul3A_192, %add3A : i32
      %lt3A_194 = arith.constant 5000 : i32
      %lt3A_195 = arith.cmpi slt, %add3A_193, %lt3A_194 : i32
      %and3A_196 = arith.andi %ge3A_190, %lt3A_195 : i1
      %convert_element_type3A_197 = arith.extui %and3A_196 : i1 to i32
      %cond3A_198 = arith.constant 0 : i32
      %cond3A_199 = arith.cmpi ne, %convert_element_type3A_197, %cond3A_198 : i32
      scf.if %cond3A_199 {
        %mul3A_229 = arith.constant 200 : i32
        %mul3A_230 = arith.muli %add3A_188, %mul3A_229 : i32
        %dma_wait3A = arith.constant 0 : i32
        %dma_wait3A_231 = tpu.memref_slice %arg2[%mul3A_230, %dma_wait3A] : memref<1000000x64xf32, #tpu.memory_space<hbm>> -> memref<200x64xf32, #tpu.memory_space<hbm>>
        %dma_wait3A_232 = arith.constant 0 : i32
        %dma_wait3A_233 = tpu.memref_slice %arg2[%mul3A_230, %dma_wait3A_232] : memref<1000000x64xf32, #tpu.memory_space<hbm>> -> memref<200x64xf32, #tpu.memory_space<hbm>>
        tpu.wait_dma2 semaphore(%arg11 : memref<!tpu.dma_semaphore, #tpu.memory_space<semaphore_mem>>) src(%dma_wait3A_233 : memref<200x64xf32, #tpu.memory_space<hbm>>) dst(%arg7 : memref<200x64xf32, #tpu.memory_space<vmem>>)
        %dma_start3A = arith.constant 0 : i32
        %dma_start3A_234 = tpu.memref_slice %arg3[%mul3A_230, %dma_start3A] : memref<1000000x64xf32, #tpu.memory_space<hbm>> -> memref<200x64xf32, #tpu.memory_space<hbm>>
        %dma_start3A_235 = arith.constant 0 : i32
        %dma_start3A_236 = tpu.memref_slice %arg3[%mul3A_230, %dma_start3A_235] : memref<1000000x64xf32, #tpu.memory_space<hbm>> -> memref<200x64xf32, #tpu.memory_space<hbm>>
        tpu.enqueue_dma source(%arg7 : memref<200x64xf32, #tpu.memory_space<vmem>>) target(%dma_start3A_236 : memref<200x64xf32, #tpu.memory_space<hbm>>) target_semaphore(%arg15 : memref<!tpu.dma_semaphore, #tpu.memory_space<semaphore_mem>>)
      } else {
      }
      %add3A_200 = arith.constant 2 : i32
      %add3A_201 = arith.addi %add3A_185, %add3A_200 : i32
      %sub3A_202 = arith.constant 4 : i32
      %sub3A_203 = arith.subi %add3A_201, %sub3A_202 : i32
      %ge3A_204 = arith.constant 0 : i32
      %ge3A_205 = arith.cmpi sge, %sub3A_203, %ge3A_204 : i32
      %mul3A_206 = arith.constant 32 : i32
      %mul3A_207 = arith.muli %sub3A_203, %mul3A_206 : i32
      %add3A_208 = arith.addi %mul3A_207, %add3A : i32
      %lt3A_209 = arith.constant 5000 : i32
      %lt3A_210 = arith.cmpi slt, %add3A_208, %lt3A_209 : i32
      %and3A_211 = arith.andi %ge3A_205, %lt3A_210 : i1
      %convert_element_type3A_212 = arith.extui %and3A_211 : i1 to i32
      %cond3A_213 = arith.constant 0 : i32
      %cond3A_214 = arith.cmpi ne, %convert_element_type3A_212, %cond3A_213 : i32
      scf.if %cond3A_214 {
        %dma_wait3A = arith.constant 0 : i32
        %dma_wait3A_229 = arith.constant 0 : i32
        %dma_wait3A_230 = tpu.memref_slice %arg3[%dma_wait3A, %dma_wait3A_229] : memref<1000000x64xf32, #tpu.memory_space<hbm>> -> memref<200x64xf32, #tpu.memory_space<hbm>>
        %dma_wait3A_231 = arith.constant 0 : i32
        %dma_wait3A_232 = arith.constant 0 : i32
        %dma_wait3A_233 = tpu.memref_slice %arg3[%dma_wait3A_231, %dma_wait3A_232] : memref<1000000x64xf32, #tpu.memory_space<hbm>> -> memref<200x64xf32, #tpu.memory_space<hbm>>
        tpu.wait_dma2 semaphore(%arg13 : memref<!tpu.dma_semaphore, #tpu.memory_space<semaphore_mem>>) src(%arg5 : memref<200x64xf32, #tpu.memory_space<vmem>>) dst(%dma_wait3A_233 : memref<200x64xf32, #tpu.memory_space<hbm>>)
      } else {
      }
      %mul3A_215 = arith.constant 32 : i32
      %mul3A_216 = arith.muli %add3A_201, %mul3A_215 : i32
      %add3A_217 = arith.addi %mul3A_216, %add3A : i32
      %ge3A_218 = arith.constant 0 : i32
      %ge3A_219 = arith.cmpi sge, %add3A_201, %ge3A_218 : i32
      %mul3A_220 = arith.constant 32 : i32
      %mul3A_221 = arith.muli %add3A_201, %mul3A_220 : i32
      %add3A_222 = arith.addi %mul3A_221, %add3A : i32
      %lt3A_223 = arith.constant 5000 : i32
      %lt3A_224 = arith.cmpi slt, %add3A_222, %lt3A_223 : i32
      %and3A_225 = arith.andi %ge3A_219, %lt3A_224 : i1
      %convert_element_type3A_226 = arith.extui %and3A_225 : i1 to i32
      %cond3A_227 = arith.constant 0 : i32
      %cond3A_228 = arith.cmpi ne, %convert_element_type3A_226, %cond3A_227 : i32
      scf.if %cond3A_228 {
        %mul3A_229 = arith.constant 200 : i32
        %mul3A_230 = arith.muli %add3A_217, %mul3A_229 : i32
        %dma_start3A = arith.constant 0 : i32
        %dma_start3A_231 = tpu.memref_slice %arg2[%mul3A_230, %dma_start3A] : memref<1000000x64xf32, #tpu.memory_space<hbm>> -> memref<200x64xf32, #tpu.memory_space<hbm>>
        %dma_start3A_232 = arith.constant 0 : i32
        %dma_start3A_233 = tpu.memref_slice %arg2[%mul3A_230, %dma_start3A_232] : memref<1000000x64xf32, #tpu.memory_space<hbm>> -> memref<200x64xf32, #tpu.memory_space<hbm>>
        tpu.enqueue_dma source(%dma_start3A_233 : memref<200x64xf32, #tpu.memory_space<hbm>>) target(%arg5 : memref<200x64xf32, #tpu.memory_space<vmem>>) target_semaphore(%arg9 : memref<!tpu.dma_semaphore, #tpu.memory_space<semaphore_mem>>)
      } else {
      }
    }
    %scan3A_23 = arith.constant 40 : i32
    %add3A_24 = arith.constant 5056 : i32
    %add3A_25 = arith.addi %add3A_24, %add3A : i32
    %lt3A_26 = arith.constant 5000 : i32
    %lt3A_27 = arith.cmpi slt, %add3A_25, %lt3A_26 : i32
    %and3A_28 = arith.constant true
    %and3A_29 = arith.andi %and3A_28, %lt3A_27 : i1
    %convert_element_type3A_30 = arith.extui %and3A_29 : i1 to i32
    %cond3A_31 = arith.constant 0 : i32
    %cond3A_32 = arith.cmpi ne, %convert_element_type3A_30, %cond3A_31 : i32
    scf.if %cond3A_32 {
      %dma_wait3A = arith.constant 0 : i32
      %dma_wait3A_42 = arith.constant 0 : i32
      %dma_wait3A_43 = tpu.memref_slice %arg3[%dma_wait3A, %dma_wait3A_42] : memref<1000000x64xf32, #tpu.memory_space<hbm>> -> memref<200x64xf32, #tpu.memory_space<hbm>>
      %dma_wait3A_44 = arith.constant 0 : i32
      %dma_wait3A_45 = arith.constant 0 : i32
      %dma_wait3A_46 = tpu.memref_slice %arg3[%dma_wait3A_44, %dma_wait3A_45] : memref<1000000x64xf32, #tpu.memory_space<hbm>> -> memref<200x64xf32, #tpu.memory_space<hbm>>
      tpu.wait_dma2 semaphore(%arg14 : memref<!tpu.dma_semaphore, #tpu.memory_space<semaphore_mem>>) src(%arg6 : memref<200x64xf32, #tpu.memory_space<vmem>>) dst(%dma_wait3A_46 : memref<200x64xf32, #tpu.memory_space<hbm>>)
    } else {
    }
    %add3A_33 = arith.constant 5088 : i32
    %add3A_34 = arith.addi %add3A_33, %add3A : i32
    %lt3A_35 = arith.constant 5000 : i32
    %lt3A_36 = arith.cmpi slt, %add3A_34, %lt3A_35 : i32
    %and3A_37 = arith.constant true
    %and3A_38 = arith.andi %and3A_37, %lt3A_36 : i1
    %convert_element_type3A_39 = arith.extui %and3A_38 : i1 to i32
    %cond3A_40 = arith.constant 0 : i32
    %cond3A_41 = arith.cmpi ne, %convert_element_type3A_39, %cond3A_40 : i32
    scf.if %cond3A_41 {
      %dma_wait3A = arith.constant 0 : i32
      %dma_wait3A_42 = arith.constant 0 : i32
      %dma_wait3A_43 = tpu.memref_slice %arg3[%dma_wait3A, %dma_wait3A_42] : memref<1000000x64xf32, #tpu.memory_space<hbm>> -> memref<200x64xf32, #tpu.memory_space<hbm>>
      %dma_wait3A_44 = arith.constant 0 : i32
      %dma_wait3A_45 = arith.constant 0 : i32
      %dma_wait3A_46 = tpu.memref_slice %arg3[%dma_wait3A_44, %dma_wait3A_45] : memref<1000000x64xf32, #tpu.memory_space<hbm>> -> memref<200x64xf32, #tpu.memory_space<hbm>>
      tpu.wait_dma2 semaphore(%arg15 : memref<!tpu.dma_semaphore, #tpu.memory_space<semaphore_mem>>) src(%arg7 : memref<200x64xf32, #tpu.memory_space<vmem>>) dst(%dma_wait3A_46 : memref<200x64xf32, #tpu.memory_space<hbm>>)
    } else {
    }
    return
  }
}

module attributes {stable_mosaic.version = 14 : i64} {
  func.func @_tc_copy_block(%arg0: i32, %arg1: memref<5000x64xf32, #tpu.memory_space<vmem>>, %arg2: memref<5000x64xf32, #tpu.memory_space<vmem>>) attributes {dimension_semantics = [#tpu.dimension_semantics<arbitrary>], iteration_bounds = array<i64: 20>, scalar_prefetch = 0 : i64, scratch_operands = 0 : i64, tpu.core_type = #tpu.core_type<tc>, window_params = [{transform_indices = @transform_0, window_bounds = array<i64: 5000, 64>}, {transform_indices = @transform_1, window_bounds = array<i64: 5000, 64>}]} {
    %get3A = arith.constant 0 : index
    %get3A_0 = arith.constant 0 : index
    %get3A_1 = vector.load %arg1[%get3A, %get3A_0] : memref<5000x64xf32, #tpu.memory_space<vmem>>, vector<5000x64xf32>
    %swap3A = arith.constant 0 : index
    %swap3A_2 = arith.constant 0 : index
    %swap3A_3 = vector.load %arg2[%swap3A, %swap3A_2] : memref<5000x64xf32, #tpu.memory_space<vmem>>, vector<5000x64xf32>
    tpu.vector_store %arg2[%swap3A, %swap3A_2], %get3A_1 {strides = array<i32>} : memref<5000x64xf32, #tpu.memory_space<vmem>>, vector<5000x64xf32>,
    return
  }
  func.func @transform_0(%arg0: i32) -> (i32, i32) {
    %c0_i32 = arith.constant 0 : i32
    %c0_i32_0 = arith.constant 0 : i32
    return %arg0, %c0_i32 : i32, i32
  }
  func.func @transform_1(%arg0: i32) -> (i32, i32) {
    %c0_i32 = arith.constant 0 : i32
    %c0_i32_0 = arith.constant 0 : i32
    return %arg0, %c0_i32 : i32, i32
  }
}

</mosaic_0001>

<sc_bundles>
// kernel: kernel.4.cloned.1.call-start
scs
__scs_entry_jumppad:
0x0: {  	(pc) =	sbr.rel $0x88, $3  }
0x1: {  	(tag) =	ssettag $0x0;
	lr =	simm.s32 $0x1  }
0x2: {  	[smem:$0x3F9F] =	sst lr;
	_ =	strace $0xD0000000  }
0x3: {  	_ = 	snop  }
0x4: {  	_ = 	snop  }
0x5: {  	_ = 	snop  }
0x6: {  	_ = 	snop  }
0x7: {  	_ = 	snop  }
__scs_overlays_trampoline_lowered:
0x8: {  	[smem:$0x3FAE] =	sst s0  }
0x9: {  	[smem:$0x3FAF] =	sst s1  }
0xa: {  	[smem:$0x3FB0] =	sst s2  }
0xb: {  	[smem:$0x3FB1] =	sst s3  }
0xc: {  	[smem:$0x3FB2] =	sst s4  }
0xd: {  	[smem:$0x3FB3] =	sst s5  }
0xe: {  	[smem:$0x3FB4] =	sst s6  }
0xf: {  	[smem:$0x3FB5] =	sst s7  }
0x10: {  	[smem:$0x3FB6] =	sst s8  }
0x11: {  	[smem:$0x3FB7] =	sst s9;
	s0 =	simm.s32 @!p0 $0x0  }
0x12: {  	s1 =	sld [smem:$0x3F9D];
	s0 =	simm.s32 @p0 $0x1  }
0x13: {  	[smem:$0x3FB8] =	sst s0;
	s0 =	simm.s32 @!p1 $0x0  }
0x14: {  	s2 =	sld [smem:$0x3F9C];
	s0 =	simm.s32 @p1 $0x1  }
0x15: {  	[smem:$0x3FB9] =	sst s0;
	s0 =	simm.s32 @!p2 $0x0  }
0x16: {  	s3 =	sld [smem:$0x3FDB];
	s0 =	simm.s32 @p2 $0x1  }
0x17: {  	s4 =	simm.s32 $0x1BF5;
	[smem:$0x3FBB] =	sst s0  }
0x18: {  	s0 =	sld [smem:$0x3F9E];
	_ =	swait.ge [sflag:s4], $0x0  }
0x19: {  	s7 =	sld [smem:$0x3F9F]  }
0x1a: {  	s8 =	sadd.s32 $0xFFFFE003, lr  }
0x1b: {  	s9 =	sadd.s32 $0xFFFFFEF7, lr;
	s5 =	simm.s32 $0xFFFFFFFF;
	p2 =	slt.u32 s8, $0xFFFFF086  }
0x1c: {  	p1 =	slt.u32 s9, $0xF7A;
	s5 =	simm.s32 @!p2 $0x0  }
0x1d: {  	s5 =	simm.s32 @p1 $0x1;
	p0 =	seq.s32 s7, s2  }
0x1e: {  	s7 =	smul.u32 @!p0 $0xF7A, s2;
	p2 =	seq.s32 @!p0 s5, $0x0  }
0x1f: {  	s9 =	smul.u32 $0xF7A, s1;
	s8 =	simm.s32 @!p0 $0x1BF5;
	p2 =	por !p2, p0  }
0x20: {  	[sflag:s8] =	ssyncset.s32 @!p0 $0xFFFFF086;
	s6 =	sadd.s32 @!p0 s3, s7;
	s7 =	simm.s32 @!p0 $0x108  }
0x21: {  	s3 =	sadd.s32 s3, s9;
	s6 =	sadd.s32 @!p0 $0x88, s6;
	s7 =	simm.s32 @p2 $0x1082  }
0x22: {  	[simem:s7], [sflag:s8] =	dma.local @!p0 [hbm:s6], $0xF7A  }
0x23: {  	s9 =	sor.u32 $0xD0000000, s2;
	s6 =	simm.s32 $0x108;
	_ =	swait.ge @!p0 [sflag:s8], $0x0  }
0x24: {  	s3 =	sadd.s32 $0x88, s3;
	s6 =	simm.s32 @!p1 $0x1082;
	[sflag:s4] =	ssyncset.s32 $0xFFFFF086  }
0x25: {  	[simem:s6], [sflag:s4] =	dma.local [hbm:s3], $0xF7A  }
0x26: {  	[smem:$0x3F9F] =	sst s1;
	(tag) =	ssettag s2;
	_ =	strace s9  }
0x27: {  	s1 =	sld [smem:$0x3FAF]  }
0x28: {  	s2 =	sld [smem:$0x3FB0]  }
0x29: {  	s4 =	sld [smem:$0x3FB2]  }
0x2a: {  	p0 =	seq.s32 s5, $0x0;
	s5 =	sld [smem:$0x3FB3]  }
0x2b: {  	s6 =	sld [smem:$0x3FB4]  }
0x2c: {  	s7 =	sld [smem:$0x3FB5]  }
0x2d: {  	s3 =	simm.s32 $0x108;
	s8 =	sld [smem:$0x3FB6]  }
0x2e: {  	s3 =	simm.s32 @!p0 $0x1082;
	s9 =	sld [smem:$0x3FB7]  }
0x2f: {  	lr =	sadd.s32 s0, s3;
	s0 =	sld [smem:$0x3FAE]  }
0x30: {  	s3 =	sld [smem:$0x3FB1]  }
0x31: {  	[smem:$0x3FBA] =	sst s10  }
0x32: {  	s10 =	sld [smem:$0x3FB8];
	_ =	sdelay $0x3  }
0x33: {  	p0 =	seq.s32 s10, $0x1;
	s10 =	sld [smem:$0x3FBA];
	_ =	sdelay $0x3  }
0x34: {  	[smem:$0x3FBA] =	sst s10  }
0x35: {  	s10 =	sld [smem:$0x3FB9];
	_ =	sdelay $0x3  }
0x36: {  	p1 =	seq.s32 s10, $0x1;
	s10 =	sld [smem:$0x3FBA];
	_ =	sdelay $0x3  }
0x37: {  	[smem:$0x3FBA] =	sst s10  }
0x38: {  	s10 =	sld [smem:$0x3FBB]  }
0x39: {  	_ = 	snop;
	(pc) =	sbr.ind lr, $3  }
0x3a: {  	_ = 	snop  }
0x3b: {  	_ = 	snop  }
0x3c: {  	p2 =	seq.s32 s10, $0x1;
	s10 =	sld [smem:$0x3FBA]  }
0x3d: {  	_ =	shalt  }
0x3e: {  	_ =	shalt  }
0x3f: {  	_ =	shalt  }
0x40: {  	_ =	shalt  }
0x41: {  	_ =	shalt  }
0x42: {  	_ =	shalt  }
0x43: {  	_ =	shalt  }
0x44: {  	_ =	shalt  }
0x45: {  	_ =	shalt  }
0x46: {  	_ =	shalt  }
0x47: {  	_ =	shalt  }
0x48: {  	_ =	shalt  }
0x49: {  	_ =	shalt  }
0x4a: {  	_ =	shalt  }
0x4b: {  	_ =	shalt  }
0x4c: {  	_ =	shalt  }
0x4d: {  	_ =	shalt  }
0x4e: {  	_ =	shalt  }
0x4f: {  	_ =	shalt  }
0x50: {  	_ =	shalt  }
0x51: {  	_ =	shalt  }
0x52: {  	_ =	shalt  }
0x53: {  	_ =	shalt  }
0x54: {  	_ =	shalt  }
0x55: {  	_ =	shalt  }
0x56: {  	_ =	shalt  }
0x57: {  	_ =	shalt  }
0x58: {  	_ =	shalt  }
0x59: {  	_ =	shalt  }
0x5a: {  	_ =	shalt  }
0x5b: {  	_ =	shalt  }
0x5c: {  	_ =	shalt  }
0x5d: {  	_ =	shalt  }
0x5e: {  	_ =	shalt  }
0x5f: {  	_ =	shalt  }
0x60: {  	_ =	shalt  }
0x61: {  	_ =	shalt  }
0x62: {  	_ =	shalt  }
0x63: {  	_ =	shalt  }
0x64: {  	_ =	shalt  }
0x65: {  	_ =	shalt  }
0x66: {  	_ =	shalt  }
0x67: {  	_ =	shalt  }
0x68: {  	_ =	shalt  }
0x69: {  	_ =	shalt  }
0x6a: {  	_ =	shalt  }
0x6b: {  	_ =	shalt  }
0x6c: {  	_ =	shalt  }
0x6d: {  	_ =	shalt  }
0x6e: {  	_ =	shalt  }
0x6f: {  	_ =	shalt  }
0x70: {  	_ =	shalt  }
0x71: {  	_ =	shalt  }
0x72: {  	_ =	shalt  }
0x73: {  	_ =	shalt  }
0x74: {  	_ =	shalt  }
0x75: {  	_ =	shalt  }
0x76: {  	_ =	shalt  }
0x77: {  	_ =	shalt  }
0x78: {  	_ =	shalt  }
0x79: {  	_ =	shalt  }
0x7a: {  	_ =	shalt  }
0x7b: {  	_ =	shalt  }
0x7c: {  	_ =	shalt  }
0x7d: {  	_ =	shalt  }
0x7e: {  	_ =	shalt  }
0x7f: {  	_ =	shalt  }
0x80: {  	_ =	shalt  }
0x81: {  	_ =	shalt  }
0x82: {  	_ =	shalt  }
0x83: {  	_ =	shalt  }
0x84: {  	_ =	shalt  }
0x85: {  	_ =	shalt  }
0x86: {  	_ =	shalt  }
0x87: {  	_ =	shalt  }
.Lfunc_end0:
.L_simem_size_0:
called_computation_lowered:
.L_overlay_start_0:
0x88: {  	s2 =	sld [smem:$0x3FD9]  }
0x89: {  	s3 =	sld [smem:$0x3FFE];
	_ =	sdelay $0x1  }
0x8a: {  	s1 =	srdreg.scid  }
0x8b: {  	s0 =	sand.u32 $0x1, s1  }
0x8c: {  	s16 =	sshll.u32 s0, $0xA;
	s2 =	sadd.s32 s3, s2  }
0x8d: {  	s2 =	sadd.s32 s2, s16  }
0x8e: {  	[smem:$0x3FC6] =	sst s2  }
0x8f: {  	_ = 	snop  }
0x90: {  	(tm) =	ssettm $0x1  }
0x91: {  	s17 =	sld [smem:$0x3FFB];
	_ =	sdelay $0x3  }
0x92: {  	_ =	strace s17  }
0x93: {  	s2 =	sld [smem:$0x3FFC];
	_ =	sdelay $0x3  }
0x94: {  	_ =	strace s2  }
0x95: {  	s2 =	sld [smem:$0x3FFD];
	_ =	sdelay $0x3  }
0x96: {  	_ =	strace s2  }
0x97: {  	_ =	strace $0x8FFFFFFF  }
0x98: {  	s18 =	sld [smem:$0x3FDB];
	_ =	sdelay $0x1  }
0x99: {  	s19 =	simm.s32 $_scs_section_size  }
0x9a: {  	s4 =	simm.s32 $_size__tile_overlayer_lowered;
	s5 =	simm.s32 $_tile_overlayer_lowered  }
0x9b: {  	s22 =	simm.s32 $0x1BFF;
	s21 =	sshll.u32 s5, $0x1;
	s2 =	sadd.s32 s19, s18  }
0x9c: {  	s6 =	simm.s32 $0x0;
	s20 =	sshll.u32 s4, $0x1;
	s4 =	sadd.s32 s21, s2  }
0x9d: {  	[timem:s6], [sflag:s22] =	dma.local [hbm:s4], s20  }
0x9e: {  	_ =	swait.ge [sflag:s22], s20  }
0x9f: {  	s3 =	ssub.s32 $0x0, s20;
	[sflag:s22] =	ssyncset.done $0x0  }
0xa0: {  	[sflag:s22] =	ssyncadd.s32 s3;
	_ =	sdelay $0x1  }
0xa1: {  	s23 =	simm.s32 $0x1B8B  }
0xa2: {  	_ =	swait.ge [sflag:s23], $0x1  }
0xa3: {  	[sflag:s23] =	ssyncset.done $0x0  }
0xa4: {  	s25 =	simm.s32 $0x1B8E;
	s24 =	sld [smem:$0x3FFE];
	[sflag:s23] =	ssyncadd.s32 $0xFFFFFFFF  }
0xa5: {  	s26 =	simm.s32 $execute0_lowered;
	[smem:$0x3FD2] =	sst s25  }
0xa6: {  	s4 =	sshll.u32 s26, $0x1;
	_ =	strace $0x80000046;
	[dreg:$0x1] =	wrdreg $0xFFFFFFFF  }
0xa7: {  	s28 =	simm.s32 $_size_execute0_lowered;
	s2 =	sadd.s32 s2, s4;
	[dreg:$0x0] =	wrdreg $0x0  }
0xa8: {  	s4 =	sshll.u32 s28, $0x1;
	[dreg:$0x2] =	wrdreg s2  }
0xa9: {  	[dreg:$0x3] =	wrdreg s4  }
0xaa: {  	[dreg:$0x4] =	wrdreg $0xC0  }
0xab: {  	_ =	task [dreg:s6], $0x5FFFF  }
0xac: {  	[dreg:$0x1] =	wrdreg $0xFFFFFFFF  }
0xad: {  	[dreg:$0x0] =	wrdreg $0x60  }
0xae: {  	[dreg:$0x2] =	wrdreg s24  }
0xaf: {  	[dreg:$0x3] =	wrdreg $0x9  }
0xb0: {  	_ =	task.clear_ibuf [dreg:s6], $0x4FFFF;
	_ =	strace $0x90000046  }
0xb1: {  	s29 =	simm.s32 $0x9;
	_ =	strace $0x80000048  }
0xb2: {  	_ =	swait.ge [sflag:s29], $0x1  }
0xb3: {  	[sflag:s29] =	ssyncadd.s32 $0xFFFFFFFF  }
0xb4: {  	_ =	strace $0x90000048  }
0xb5: {  	_ =	sfence  }
0xb6: {  	s30 =	sld [smem:$0x0];
	_ =	sdelay $0x2  }
0xb7: {  	s31 =	sshll.u32 s1, $0xD;
	s1 =	sshrl.u32 s1, $0x2  }
0xb8: {  	s3 =	sand.u32 $0x4000, s31;
	s1 =	sadd.s32 s1, s30  }
0xb9: {  	s0 =	sor.u32 s3, s0;
	s1 =	sshll.u32 s1, $0x11  }
0xba: {  	s0 =	sor.u32 s1, s0  }
0xbb: {  	s0 =	sadd.s32 $0x8F2B, s0  }
0xbc: {  	[sflag:s0] =	ssyncadd.remote.s32 $0x1  }
0xbd: {  	_ =	sfence.sel $0xFFFF  }
0xbe: {  	[dreg:$0x0] =	wrdreg $0xFFFFFFFF;
	(pc) =	sbr.abs _section_cstart, $3  }
0xbf: {  	[dreg:$0x1] =	wrdreg $0xFFFFFFFF  }
0xc0: {  	_ =	task.clear_ibuf [dreg:s6], $0x2FFFF;
	_ =	strace $0x9FFFFFFF  }
0xc1: {  	(tm) =	ssettm $0x7FFFFFFF  }
tec
execute0_lowered:
.L_overlay_start_1:
0x0: {  	(tag) =	ssettag $0x1  }
0x1: {  	s3 =	rddreg [dreg:$0x0]  }
0x2: {  	s1 =	srdreg.scid;
	s0 =	rddreg [dreg:$0x1];
	s2 =	simm.s32 $0x0  }
0x3: {  	s4 =	sand.u32 $0x1, s1;
	s1 =	stileid.u32;
	[smem:$0x7FF] =	sst s2  }
0x4: {  	s8 =	sadd.s32 $0x600, s3;
	s5 =	sshll.u32 s4, $0x4;
	s6 =	smul.u32 $0xC800, s4  }
0x5: {  	s4 =	ssub.s32 $0x2, s4;
	s30 =	smul.u32 $0xC80, s1;
	s7 =	sor.u32 s1, s5  }
0x6: {  	_ =	strace $0x80000047;
	s9 =	sshrl.u32 s4, $0x1;
	s5 =	smul.u32 $0x6400, s7  }
0x7: {  	s10 =	smul.u32 $0xC80, s7;
	s11 =	sadd.s32 s6, s3;
	s6 =	sadd.s32 s6, s8  }
0x8: {  	s9 =	ssub.s32 s4, s9;
	s7 =	sor.u32 $0xA0, s7;
	s6 =	sadd.s32 s30, s6  }
0x9: {  	s31 =	sadd.s32 s30, s11;
	s29 =	sshrl.u32 s5, $0x3;
	s3 =	sadd.s32 s8, s10  }
0xa: {  	s5 =	smax.u32 s9, $0x1;
	s9 =	simm.s32 $0x6400;
	s4 =	sadd.s32 s8, s29  }
0xb: {  	s10 =	simm.s32 $0x0;
	s8 =	sadd.s32 $0xF42A00, s31;
	s4 =	sadd.s32 $0x19000, s4  }
.LBB2_1:
0xc: {  	[tilespmem:s2], [sflag:$0x1] =	stream.linear.gather [hbm4b:s3+s2], $0x6400, $0x38;
	[tilespmem:$0x19000] =	vst v63  }
0xd: {  	s11 =	sadd.s32 $0xFFFFFF60, s7;
	p4 =	por $0x1, $0x1  }
0xe: {  	s13 =	sadd.s32 $0xFFFFFF80, s7;
	s14 =	sadd.s32 $0xFFFFFFA0, s7;
	p1 =	sgt.u32 s11, $0x1387  }
0xf: {  	[tilespmem:s9], [sflag:$0x2] =	stream.linear.gather [hbm4b:s4+s2], $0x6400, $0x38;
	[tilespmem:$0x19000] =	vst v63  }
0x10: {  	s31 =	sadd.s32 $0xFFFFFFC0, s7;
	s19 =	sadd.s32 $0xFFFFFFE0, s7;
	s12 =	simm.s32 @!p1 $0x1  }
0x11: {  	p6 =	sgt.u32 s7, $0x1387;
	p3 =	sgt.u32 s14, $0x1387;
	_ =	swait.ge @!p1 [sflag:s12], $0x6400  }
0x12: {  	p0 =	sgt.u32 s13, $0x1387;
	s11 =	simm.s32 @!p1 $0x0;
	[sflag:s12] =	ssyncset.done @!p1 $0x0  }
0x13: {  	s15 =	sadd.s32 @!p1 $0x0, s8;
	[sflag:s12] =	ssyncadd.s32 @!p1 $0xFFFF9C00;
	s12 =	simm.s32 @!p4 $0x7  }
0x14: {  	[hbm4b:s15+s11] =	stream.linear.scatter @!p1 [tilespmem:s11], [sflag:$0x5], $0x6400, $0x38;
	[tilespmem:$0x19000] =	vst v63  }
0x15: {  	p2 =	sgt.u32 s31, $0x1387;
	s14 =	sadd.s32 @!p3 $0x0, s6;
	_ =	swait.ge @!p4 [sflag:s12], $0x6400  }
0x16: {  	s17 =	simm.s32 @!p3 $0xC800;
	s13 =	simm.s32 @!p0 $0x2;
	[sflag:s12] =	ssyncset.done @!p4 $0x0  }
0x17: {  	s11 =	sadd.s32 @!p3 $0x32000, s14;
	s14 =	simm.s32 @!p3 $0x0;
	[sflag:s12] =	ssyncadd.s32 @!p4 $0xFFFF9C00  }
0x18: {  	[tilespmem:s17], [sflag:$0x3] =	stream.linear.gather @!p3 [hbm4b:s11+s14], $0x6400, $0x38;
	[tilespmem:$0x19000] =	vst v63  }
0x19: {  	s16 =	simm.s32 @!p0 $0x6400;
	s15 =	sadd.s32 @!p0 $0x0, s8;
	_ =	swait.ge @!p0 [sflag:s13], $0x6400  }
0x1a: {  	s18 =	simm.s32 @!p3 $0x3;
	s11 =	sadd.s32 @!p0 $0x19000, s15;
	[sflag:s13] =	ssyncset.done @!p0 $0x0  }
0x1b: {  	s15 =	simm.s32 @!p0 $0x0;
	[sflag:s13] =	ssyncadd.s32 @!p0 $0xFFFF9C00;
	s13 =	simm.s32 @!p4 $0x8  }
0x1c: {  	[hbm4b:s11+s15] =	stream.linear.scatter @!p0 [tilespmem:s16], [sflag:$0x6], $0x6400, $0x38;
	[tilespmem:$0x19000] =	vst v63  }
0x1d: {  	s20 =	simm.s32 @!p2 $0x4;
	s12 =	sadd.s32 @!p2 $0x0, s6;
	_ =	swait.ge @!p4 [sflag:s13], $0x6400  }
0x1e: {  	s12 =	sadd.s32 @!p2 $0x4B000, s12;
	s11 =	simm.s32 $0x64000;
	[sflag:s13] =	ssyncset.done @!p4 $0x0  }
0x1f: {  	s15 =	simm.s32 @!p2 $0x12C00;
	s16 =	simm.s32 @!p2 $0x0;
	[sflag:s13] =	ssyncadd.s32 @!p4 $0xFFFF9C00  }
0x20: {  	[tilespmem:s15], [sflag:$0x4] =	stream.linear.gather @!p2 [hbm4b:s12+s16], $0x6400, $0x38;
	[tilespmem:$0x19000] =	vst v63  }
0x21: {  	s13 =	simm.s32 $0xC8000;
	p4 =	sgt.u32 s19, $0x1387;
	_ =	swait.ge @!p3 [sflag:s18], $0x6400  }
0x22: {  	s19 =	simm.s32 @!p0 $0x6;
	s12 =	sadd.s32 @!p3 $0x0, s8;
	[sflag:s18] =	ssyncset.done @!p3 $0x0  }
0x23: {  	s12 =	sadd.s32 @!p3 $0x32000, s12;
	[sflag:s18] =	ssyncadd.s32 @!p3 $0xFFFF9C00;
	s18 =	simm.s32 @!p1 $0x5  }
0x24: {  	[hbm4b:s12+s14] =	stream.linear.scatter @!p3 [tilespmem:s17], [sflag:$0x7], $0x6400, $0x38;
	[tilespmem:$0x19000] =	vst v63  }
0x25: {  	s12 =	sadd.s32 @!p2 $0x0, s8;
	s14 =	sadd.s32 @!p4 $0x0, s6;
	_ =	swait.ge @!p1 [sflag:s18], $0x6400  }
0x26: {  	s17 =	simm.s32 @!p4 $0x0;
	s21 =	sadd.s32 @!p2 $0x4B000, s12;
	[sflag:s18] =	ssyncset.done @!p1 $0x0  }
0x27: {  	s14 =	sadd.s32 @!p4 $0x64000, s14;
	s12 =	sadd.s32 $0x80, s7;
	[sflag:s18] =	ssyncadd.s32 @!p1 $0xFFFF9C00  }
0x28: {  	[tilespmem:s17], [sflag:$0x1] =	stream.linear.gather @!p4 [hbm4b:s14+s17], $0x6400, $0x38;
	[tilespmem:$0x19000] =	vst v63  }
0x29: {  	s18 =	simm.s32 $0x0;
	s17 =	sadd.s32 $0xFFFFFF60, s12;
	_ =	swait.ge @!p2 [sflag:s20], $0x6400  }
.LBB2_2:
0x2a: {  	p1 =	sgt.u32 s17, $0x1387;
	[sflag:s20] =	ssyncset.done @!p2 $0x0  }
0x2b: {  	s22 =	simm.s32 @!p6 $0x6400;
	s17 =	smov.u32 s13;
	s14 =	smov.u32 s12  }
0x2c: {  	s13 =	sadd.s32 $0x64000, s13;
	s23 =	simm.s32 @!p1 $0x0;
	[sflag:s20] =	ssyncadd.s32 @!p2 $0xFFFF9C00  }
0x2d: {  	[hbm4b:s21+s16] =	stream.linear.scatter @!p2 [tilespmem:s15], [sflag:$0x8], $0x6400, $0x38;
	[tilespmem:$0x19000] =	vst v63  }
0x2e: {  	s15 =	sadd.s32 @!p6 s18, s6;
	s16 =	simm.s32 @!p6 $0x0;
	_ =	swait.ge @!p0 [sflag:s19], $0x6400  }
0x2f: {  	p4 =	seq.s32 s11, $0x0;
	s18 =	sadd.s32 $0xFFFFFF80, s12;
	[sflag:s19] =	ssyncset.done @!p0 $0x0  }
0x30: {  	s20 =	sadd.s32 $0xFFFFFFA0, s12;
	s21 =	sadd.s32 @!p1 s11, s8;
	[sflag:s19] =	ssyncadd.s32 @!p0 $0xFFFF9C00  }
0x31: {  	p3 =	sgt.u32 s20, $0x1387;
	s15 =	sadd.s32 @!p6 $0x7D000, s15;
	s19 =	simm.s32 @!p1 $0x1  }
0x32: {  	[tilespmem:s22], [sflag:$0x2] =	stream.linear.gather @!p6 [hbm4b:s15+s16], $0x6400, $0x38;
	[tilespmem:$0x19000] =	vst v63  }
0x33: {  	s20 =	simm.s32 @!p3 $0xC800;
	s15 =	sadd.s32 @!p3 s11, s6;
	_ =	swait.ge @!p1 [sflag:s19], $0x6400  }
0x34: {  	s22 =	simm.s32 @!p3 $0x0;
	s15 =	sadd.s32 @!p3 $0x32000, s15;
	[sflag:s19] =	ssyncset.done @!p1 $0x0  }
0x35: {  	s16 =	simm.s32 @!p4 $0x7;
	[sflag:s19] =	ssyncadd.s32 @!p1 $0xFFFF9C00;
	s19 =	sadd.s32 @!p3 s11, s8  }
0x36: {  	[hbm4b:s21+s23] =	stream.linear.scatter @!p1 [tilespmem:s23], [sflag:$0x5], $0x6400, $0x38;
	[tilespmem:$0x19000] =	vst v63  }
0x37: {  	p0 =	sgt.u32 s18, $0x1387;
	s23 =	sadd.s32 @!p3 $0x32000, s19;
	_ =	swait.ge @!p4 [sflag:s16], $0x6400  }
0x38: {  	s18 =	sadd.s32 @!p0 s11, s8;
	s19 =	simm.s32 @!p0 $0x2;
	[sflag:s16] =	ssyncset.done @!p4 $0x0  }
0x39: {  	p5 =	sne.s32 s13, $0xFA0000;
	[sflag:s16] =	ssyncadd.s32 @!p4 $0xFFFF9C00;
	s16 =	sadd.s32 @!p0 $0x19000, s18  }
0x3a: {  	[tilespmem:s20], [sflag:$0x3] =	stream.linear.gather @!p3 [hbm4b:s15+s22], $0x6400, $0x38;
	[tilespmem:$0x19000] =	vst v63  }
0x3b: {  	s18 =	smov.u32 s11;
	s15 =	sadd.s32 $0xFFFFFFC0, s12;
	_ =	swait.ge @!p0 [sflag:s19], $0x6400  }
0x3c: {  	s21 =	simm.s32 @!p0 $0x6400;
	s11 =	simm.s32 @!p0 $0x0;
	[sflag:s19] =	ssyncset.done @!p0 $0x0  }
0x3d: {  	p2 =	sgt.u32 s15, $0x1387;
	[sflag:s19] =	ssyncadd.s32 @!p0 $0xFFFF9C00;
	s19 =	simm.s32 @!p4 $0x8  }
0x3e: {  	[hbm4b:s16+s11] =	stream.linear.scatter @!p0 [tilespmem:s21], [sflag:$0x6], $0x6400, $0x38;
	[tilespmem:$0x19000] =	vst v63  }
0x3f: {  	s15 =	simm.s32 @!p2 $0x12C00;
	s11 =	sadd.s32 @!p2 s18, s6;
	_ =	swait.ge @!p4 [sflag:s19], $0x6400  }
0x40: {  	s16 =	simm.s32 @!p2 $0x0;
	s11 =	sadd.s32 @!p2 $0x4B000, s11;
	[sflag:s19] =	ssyncset.done @!p4 $0x0  }
0x41: {  	s24 =	simm.s32 @!p3 $0x3;
	[sflag:s19] =	ssyncadd.s32 @!p4 $0xFFFF9C00;
	s19 =	sadd.s32 @!p2 s18, s8  }
0x42: {  	[tilespmem:s15], [sflag:$0x4] =	stream.linear.gather @!p2 [hbm4b:s11+s16], $0x6400, $0x38;
	[tilespmem:$0x19000] =	vst v63  }
0x43: {  	s21 =	sadd.s32 @!p2 $0x4B000, s19;
	s11 =	smov.u32 s17;
	_ =	swait.ge @!p3 [sflag:s24], $0x6400  }
0x44: {  	s17 =	sadd.s32 $0xFFFFFFE0, s12;
	s19 =	simm.s32 @!p0 $0x6;
	[sflag:s24] =	ssyncset.done @!p3 $0x0  }
0x45: {  	p4 =	sgt.u32 s17, $0x1387;
	[sflag:s24] =	ssyncadd.s32 @!p3 $0xFFFF9C00;
	s24 =	simm.s32 @!p1 $0x5  }
0x46: {  	[hbm4b:s23+s22] =	stream.linear.scatter @!p3 [tilespmem:s20], [sflag:$0x7], $0x6400, $0x38;
	[tilespmem:$0x19000] =	vst v63  }
.Ltmp0:
0x47: {  	s17 =	sadd.s32 @!p4 s18, s6;
	_ =	swait.ge @!p1 [sflag:s24], $0x6400;
	(pc) =	sbr.rel @p5 .LBB2_2-.Ltmp0, $4  }
0x48: {  	s17 =	sadd.s32 @!p4 $0x64000, s17;
	s22 =	simm.s32 @!p4 $0x0;
	[sflag:s24] =	ssyncset.done @!p1 $0x0  }
0x49: {  	s12 =	sadd.s32 $0x80, s12;
	s20 =	simm.s32 @!p2 $0x4;
	[sflag:s24] =	ssyncadd.s32 @!p1 $0xFFFF9C00  }
0x4a: {  	[tilespmem:s22], [sflag:$0x1] =	stream.linear.gather @!p4 [hbm4b:s17+s22], $0x6400, $0x38;
	[tilespmem:$0x19000] =	vst v63  }
0x4b: {  	p6 =	sgt.u32 s14, $0x1387;
	s17 =	sadd.s32 $0xFFFFFF60, s12;
	_ =	swait.ge @!p2 [sflag:s20], $0x6400  }
0x4c: {  	[sflag:s20] =	ssyncset.done @!p2 $0x0  }
0x4d: {  	p1 =	sgt.u32 s17, $0x1387;
	s13 =	simm.s32 @!p6 $0x6400;
	[sflag:s20] =	ssyncadd.s32 @!p2 $0xFFFF9C00  }
0x4e: {  	[hbm4b:s21+s16] =	stream.linear.scatter @!p2 [tilespmem:s15], [sflag:$0x8], $0x6400, $0x38;
	[tilespmem:$0x19000] =	vst v63  }
0x4f: {  	p3 =	seq.s32 s11, $0x0;
	s28 =	sadd.s32 $0xFFFFFF80, s12;
	_ =	swait.ge @!p0 [sflag:s19], $0x6400  }
0x50: {  	s17 =	simm.s32 @!p1 $0x1;
	s15 =	sadd.s32 @!p6 s18, s6;
	[sflag:s19] =	ssyncset.done @!p0 $0x0  }
0x51: {  	s16 =	simm.s32 @!p6 $0x0;
	s15 =	sadd.s32 @!p6 $0x7D000, s15;
	[sflag:s19] =	ssyncadd.s32 @!p0 $0xFFFF9C00  }
0x52: {  	[tilespmem:s13], [sflag:$0x2] =	stream.linear.gather @!p6 [hbm4b:s15+s16], $0x6400, $0x38;
	[tilespmem:$0x19000] =	vst v63  }
0x53: {  	s29 =	sadd.s32 $0xFFFFFFA0, s12;
	s30 =	sadd.s32 $0xFFFFFFC0, s12;
	_ =	swait.ge @!p1 [sflag:s17], $0x6400  }
0x54: {  	s14 =	simm.s32 @!p1 $0x0;
	p2 =	sgt.u32 s29, $0x1387;
	[sflag:s17] =	ssyncset.done @!p1 $0x0  }
0x55: {  	s16 =	sadd.s32 @!p1 s11, s8;
	[sflag:s17] =	ssyncadd.s32 @!p1 $0xFFFF9C00;
	s17 =	simm.s32 @!p3 $0x7  }
0x56: {  	[hbm4b:s16+s14] =	stream.linear.scatter @!p1 [tilespmem:s14], [sflag:$0x5], $0x6400, $0x38;
	[tilespmem:$0x19000] =	vst v63  }
0x57: {  	p0 =	sgt.u32 s28, $0x1387;
	s15 =	sadd.s32 @!p2 s11, s6;
	_ =	swait.ge @!p3 [sflag:s17], $0x6400  }
0x58: {  	s13 =	simm.s32 @!p0 $0x2;
	s15 =	sadd.s32 @!p2 $0x32000, s15;
	[sflag:s17] =	ssyncset.done @!p3 $0x0  }
0x59: {  	s14 =	simm.s32 @!p2 $0xC800;
	s16 =	simm.s32 @!p2 $0x0;
	[sflag:s17] =	ssyncadd.s32 @!p3 $0xFFFF9C00  }
0x5a: {  	[tilespmem:s14], [sflag:$0x3] =	stream.linear.gather @!p2 [hbm4b:s15+s16], $0x6400, $0x38;
	[tilespmem:$0x19000] =	vst v63  }
0x5b: {  	p4 =	sgt.u32 s30, $0x1387;
	s18 =	sadd.s32 @!p0 s11, s8;
	_ =	swait.ge @!p0 [sflag:s13], $0x6400  }
0x5c: {  	s19 =	simm.s32 @!p0 $0x6400;
	s15 =	sadd.s32 @!p0 $0x19000, s18;
	[sflag:s13] =	ssyncset.done @!p0 $0x0  }
0x5d: {  	s18 =	simm.s32 @!p0 $0x0;
	[sflag:s13] =	ssyncadd.s32 @!p0 $0xFFFF9C00;
	s13 =	simm.s32 @!p3 $0x8  }
0x5e: {  	[hbm4b:s15+s18] =	stream.linear.scatter @!p0 [tilespmem:s19], [sflag:$0x6], $0x6400, $0x38;
	[tilespmem:$0x19000] =	vst v63  }
0x5f: {  	s17 =	simm.s32 @!p4 $0x12C00;
	_ =	swait.ge @!p3 [sflag:s13], $0x6400  }
0x60: {  	s15 =	sadd.s32 @!p4 s11, s6;
	s18 =	simm.s32 @!p4 $0x0;
	[sflag:s13] =	ssyncset.done @!p3 $0x0  }
0x61: {  	s15 =	sadd.s32 @!p4 $0x4B000, s15;
	[sflag:s13] =	ssyncadd.s32 @!p3 $0xFFFF9C00;
	s13 =	simm.s32 @!p2 $0x3  }
0x62: {  	[tilespmem:s17], [sflag:$0x4] =	stream.linear.gather @!p4 [hbm4b:s15+s18], $0x6400, $0x38;
	[tilespmem:$0x19000] =	vst v63  }
0x63: {  	_ =	swait.ge @!p2 [sflag:s13], $0x6400  }
0x64: {  	s31 =	sadd.s32 $0xFFFFFFE0, s12;
	s15 =	sadd.s32 @!p2 s11, s8;
	[sflag:s13] =	ssyncset.done @!p2 $0x0  }
0x65: {  	s15 =	sadd.s32 @!p2 $0x32000, s15;
	[sflag:s13] =	ssyncadd.s32 @!p2 $0xFFFF9C00;
	s13 =	simm.s32 @!p1 $0x5  }
0x66: {  	[hbm4b:s15+s16] =	stream.linear.scatter @!p2 [tilespmem:s14], [sflag:$0x7], $0x6400, $0x38;
	[tilespmem:$0x19000] =	vst v63  }
0x67: {  	p3 =	sgt.u32 s31, $0x1387;
	_ =	swait.ge @!p1 [sflag:s13], $0x6400  }
0x68: {  	s14 =	sadd.s32 @!p3 s11, s6;
	s15 =	simm.s32 @!p3 $0x0;
	[sflag:s13] =	ssyncset.done @!p1 $0x0  }
0x69: {  	s14 =	sadd.s32 @!p3 $0x64000, s14;
	[sflag:s13] =	ssyncadd.s32 @!p1 $0xFFFF9C00;
	s13 =	simm.s32 @!p4 $0x4  }
0x6a: {  	[tilespmem:s15], [sflag:$0x1] =	stream.linear.gather @!p3 [hbm4b:s14+s15], $0x6400, $0x38;
	[tilespmem:$0x19000] =	vst v63  }
0x6b: {  	_ =	swait.ge @!p4 [sflag:s13], $0x6400  }
0x6c: {  	s14 =	sadd.s32 @!p4 s11, s8;
	[sflag:s13] =	ssyncset.done @!p4 $0x0  }
0x6d: {  	s15 =	simm.s32 @!p0 $0x6;
	s14 =	sadd.s32 @!p4 $0x4B000, s14;
	[sflag:s13] =	ssyncadd.s32 @!p4 $0xFFFF9C00  }
0x6e: {  	[hbm4b:s14+s18] =	stream.linear.scatter @!p4 [tilespmem:s17], [sflag:$0x8], $0x6400, $0x38;
	[tilespmem:$0x19000] =	vst v63  }
0x6f: {  	_ =	swait.ge @!p0 [sflag:s15], $0x6400  }
0x70: {  	s10 =	sadd.s32 $0x1, s10;
	[sflag:s15] =	ssyncset.done @!p0 $0x0  }
0x71: {  	[sflag:s15] =	ssyncadd.s32 @!p0 $0xFFFF9C00;
	p0 =	sne.s32 s10, s5  }
.Ltmp1:
0x72: {  	_ = 	snop;
	(pc) =	sbr.rel @p0 .LBB2_1-.Ltmp1, $4  }
0x73: {  	p1 =	sgt.u32 s12, $0x1387  }
0x74: {  	s11 =	sadd.s32 @!p1 s11, s6  }
0x75: {  	s12 =	simm.s32 @!p1 $0x6400;
	s11 =	sadd.s32 @!p1 $0x7D000, s11;
	s13 =	simm.s32 @!p1 $0x0  }
0x76: {  	[tilespmem:s12], [sflag:$0x2] =	stream.linear.gather @!p1 [hbm4b:s11+s13], $0x6400, $0x38;
	[tilespmem:$0x19000] =	vst v63  }
0x77: {  	_ =	sfence.sel $0x180000  }
0x78: {  	[bflag:$0x0] =	sbarrier.arrive $0xFFFF  }
0x79: {  	p0 =	sne.s32 s1, $0x0;
	_ =	strace $0x90000047  }
0x7a: {  	s0 =	sadd.s32 @!p0 $0x100000, s0;
	[bflag:$0x2] =	sbarrier.arrive $0xFFFF  }
0x7b: {  	[sflag:s0] =	ssyncadd.tile.s32 @!p0 $0x1;
	_ =	shalt  }
.Lfunc_end2:
_tile_overlayer_lowered:
.L_overlay_start_2:
0x7c: {  	(tag) =	ssettag $0x2  }
0x7d: {  	s0 =	rddreg [dreg:$0x0];
	s2 =	stileid.u32  }
0x7e: {  	s1 =	rddreg [dreg:$0x1];
	p0 =	sne.s32 s2, $0x0  }
0x7f: {  	s3 =	rddreg [dreg:$0x2];
	[bflag:$0x3] =	sbarrier.arrive $0xFFFF;
	s2 =	simm.s32 @!p0 $0x1C09  }
0x80: {  	[timem:s3], [sflag:s2] =	dma.local @!p0 [hbm:s0], s1  }
0x81: {  	s0 =	simm.s32 @!p0 $0x9  }
0x82: {  	_ =	swait.ge @!p0 [sflag:s0], s1  }
0x83: {  	s1 =	ssub.s32 @!p0 $0x0, s1;
	[sflag:s0] =	ssyncset.done @!p0 $0x0  }
0x84: {  	[sflag:s0] =	ssyncadd.s32 @!p0 s1  }
0x85: {  	[bflag:$0x3] =	sbarrier.arrive $0xFFFF  }
0x86: {  	_ =	shalt  }

</sc_bundles>
